<compile_context>
chip_gen: v7x
topology: tpu7x:2x2x1
jax: 0.10.2.dev20260603
libtpu: 0.0.44.dev20260713+nightly
codegen_flags: <defaults>
</compile_context>

<pallas_src>
import functools

import jax
import jax.numpy as jnp
from jax import lax
from jax.experimental import pallas as pl
from jax.experimental.pallas import tpu as pltpu
from jax.experimental.pallas import tpu_sc as plsc

_NC = 2
_NS = 16
_NW = _NC * _NS

_V = 8192
_D = 8192
_BTOK = 8192
_BPW = _BTOK // _NW
_K = 4
_NBUF = 2
_LA = 1
_NCHUNK = _BPW // _K


def _make_gather():
  mesh = plsc.VectorSubcoreMesh(
      core_axis_name="c", subcore_axis_name="s",
      num_cores=_NC, num_subcores=_NS)

  @functools.partial(
      pl.kernel,
      out_type=jax.ShapeDtypeStruct((_BTOK, _D), jnp.float32),
      mesh=mesh,
      scratch_types=[
          pltpu.VMEM((_NCHUNK, _K), jnp.int32),
      ] + [pltpu.VMEM((_K, _D), jnp.float32)] * _NBUF
        + [pltpu.SemaphoreType.DMA] * (2 * _NBUF),
  )
  def gather(table_hbm, idx_hbm, out_hbm, idx_v, *rest):
    bufs = rest[:_NBUF]
    sem_in = rest[_NBUF:2 * _NBUF]
    sem_out = rest[2 * _NBUF:]
    wid = lax.axis_index("s") * _NC + lax.axis_index("c")
    row0 = wid * _BPW

    pltpu.sync_copy(idx_hbm.at[wid], idx_v)

    for j in range(_LA):
      pltpu.async_copy(table_hbm.at[idx_v.at[j]], bufs[j % _NBUF],
                       sem_in[j % _NBUF])

    @pl.loop(0, _NCHUNK, step=_NBUF)
    def _body(g):
      for b in range(_NBUF):
        c = g + b
        b2 = (b + _LA) % _NBUF

        @pl.when(c + _LA < _NCHUNK)
        def _refill():
          @pl.when(c + _LA - _NBUF >= 0)
          def _free():
            pltpu.make_async_copy(
                bufs[b2],
                out_hbm.at[pl.ds(row0 + (c + _LA - _NBUF) * _K, _K)],
                sem_out[b2]).wait()
          pltpu.async_copy(table_hbm.at[idx_v.at[c + _LA]], bufs[b2],
                           sem_in[b2])

        pltpu.make_async_copy(
            table_hbm.at[idx_v.at[c]], bufs[b], sem_in[b]).wait()
        pltpu.async_copy(bufs[b], out_hbm.at[pl.ds(row0 + c * _K, _K)],
                         sem_out[b])

    for b in range(_NBUF):
      c = _NCHUNK - _NBUF + b
      pltpu.make_async_copy(
          bufs[b], out_hbm.at[pl.ds(row0 + c * _K, _K)], sem_out[b]).wait()

  return gather


_gather = _make_gather()


def kernel(idx, table):
  b, t = idx.shape
  idx3 = idx.astype(jnp.int32).reshape(_NW, _NCHUNK, _K)
  out = _gather(table, idx3)
  return out.reshape(b, t, _V)

# --- scband reference (transcript-rebuilt; emitter-appended) ---
"""Pipeline reference for scband-bigram-model-10642928959535 (READ-ONLY COPY).

The authoritative reference and input builder live on the scoring server;
editing this copy changes nothing except your own understanding.
"""

import jax, jax.numpy as jnp
import numpy as np

VOCAB = 8192
B, T = 4, 2048

def setup_inputs(seed: int = 0) -> dict:
    key = jax.random.key(seed)
    k_idx, k_tab = jax.random.split(key)
    idx = jax.random.randint(k_idx, (B, T), 0, VOCAB, dtype=jnp.int64 if jax.config.jax_enable_x64 else jnp.int32)
    table = jax.random.normal(k_tab, (VOCAB, VOCAB), dtype=jnp.float32)
    return {"idx": idx, "table": table}

def reference(idx, table):
    # logits = token_embedding_table(idx): pure embedding gather
    logits = jnp.take(table, idx, axis=0)  # [B, T, VOCAB]
    return logits

if __name__ == "__main__":
    import jax
    _d = setup_inputs()
    print(jax.jit(kernel)(*tuple(_d.values())))

</pallas_src>

<mosaic_0001>
#map = affine_map<(d0, d1) -> (0, 0)>
#map1 = affine_map<(d0, d1) -> (0, 0, 0)>
module attributes {stable_mosaic.version = 14 : i64} {
  func.func @gather(%arg0: i32, %arg1: i32, %arg2: memref<8192x8192xf32, #tpu.memory_space<hbm>>, %arg3: memref<32x64x4xi32, #tpu.memory_space<hbm>>, %arg4: memref<8192x8192xf32, #tpu.memory_space<hbm>>, %arg5: memref<64x4xi32, #tpu.memory_space<vmem>>, %arg6: memref<4x8192xf32, #tpu.memory_space<vmem>>, %arg7: memref<4x8192xf32, #tpu.memory_space<vmem>>, %arg8: memref<!tpu.dma_semaphore, #tpu.memory_space<semaphore_mem>>, %arg9: memref<!tpu.dma_semaphore, #tpu.memory_space<semaphore_mem>>, %arg10: memref<!tpu.dma_semaphore, #tpu.memory_space<semaphore_mem>>, %arg11: memref<!tpu.dma_semaphore, #tpu.memory_space<semaphore_mem>>) attributes {dimension_semantics = [#tpu.dimension_semantics<core_parallel>, #tpu.dimension_semantics<subcore_parallel>], iteration_bounds = array<i64: 2, 16>, scalar_prefetch = 0 : i64, scratch_operands = 7 : i64, tpu.core_type = #tpu.core_type<sc_vector_subcore>, window_params = [{transform_indices = #map}, {transform_indices = #map1}, {transform_indices = #map}]} {
    %mul3A = arith.constant 2 : i32
    %mul3A_0 = arith.muli %arg1, %mul3A : i32
    %add3A = arith.addi %mul3A_0, %arg0 : i32
    %mul3A_1 = arith.constant 256 : i32
    %mul3A_2 = arith.muli %add3A, %mul3A_1 : i32
    "tpu.region"() ({
      %run_scoped3A = tpu.sem_alloc : memref<!tpu.dma_semaphore, #tpu.memory_space<semaphore_mem>>
      %dma_start3A_24 = arith.constant 0 : i32
      %dma_start3A_25 = arith.constant 0 : i32
      %dma_start3A_26 = tpu.memref_slice %arg3[%add3A, %dma_start3A_24, %dma_start3A_25] : memref<32x64x4xi32, #tpu.memory_space<hbm>> -> memref<1x64x4xi32, #tpu.memory_space<hbm>>
      %dma_start3A_27 = tpu.memref_squeeze %dma_start3A_26 : memref<1x64x4xi32, #tpu.memory_space<hbm>> -> memref<64x4xi32, #tpu.memory_space<hbm>>
      %dma_start3A_28 = arith.constant 0 : i32
      %dma_start3A_29 = arith.constant 0 : i32
      %dma_start3A_30 = tpu.memref_slice %arg3[%add3A, %dma_start3A_28, %dma_start3A_29] : memref<32x64x4xi32, #tpu.memory_space<hbm>> -> memref<1x64x4xi32, #tpu.memory_space<hbm>>
      %dma_start3A_31 = tpu.memref_squeeze %dma_start3A_30 : memref<1x64x4xi32, #tpu.memory_space<hbm>> -> memref<64x4xi32, #tpu.memory_space<hbm>>
      tpu.enqueue_dma source(%dma_start3A_31 : memref<64x4xi32, #tpu.memory_space<hbm>>) target(%arg5 : memref<64x4xi32, #tpu.memory_space<vmem>>) target_semaphore(%run_scoped3A : memref<!tpu.dma_semaphore, #tpu.memory_space<semaphore_mem>>)
      %dma_wait3A_32 = arith.constant 0 : i32
      %dma_wait3A_33 = arith.constant 0 : i32
      %dma_wait3A_34 = tpu.memref_slice %arg3[%add3A, %dma_wait3A_32, %dma_wait3A_33] : memref<32x64x4xi32, #tpu.memory_space<hbm>> -> memref<1x64x4xi32, #tpu.memory_space<hbm>>
      %dma_wait3A_35 = tpu.memref_squeeze %dma_wait3A_34 : memref<1x64x4xi32, #tpu.memory_space<hbm>> -> memref<64x4xi32, #tpu.memory_space<hbm>>
      %dma_wait3A_36 = arith.constant 0 : i32
      %dma_wait3A_37 = arith.constant 0 : i32
      %dma_wait3A_38 = tpu.memref_slice %arg3[%add3A, %dma_wait3A_36, %dma_wait3A_37] : memref<32x64x4xi32, #tpu.memory_space<hbm>> -> memref<1x64x4xi32, #tpu.memory_space<hbm>>
      %dma_wait3A_39 = tpu.memref_squeeze %dma_wait3A_38 : memref<1x64x4xi32, #tpu.memory_space<hbm>> -> memref<64x4xi32, #tpu.memory_space<hbm>>
      tpu.wait_dma2 semaphore(%run_scoped3A : memref<!tpu.dma_semaphore, #tpu.memory_space<semaphore_mem>>) src(%dma_wait3A_39 : memref<64x4xi32, #tpu.memory_space<hbm>>) dst(%arg5 : memref<64x4xi32, #tpu.memory_space<vmem>>)
      tpu.yield
    }) : () -> ()
    %dma_start3A = arith.constant 0 : i32
    %dma_start3A_3 = arith.constant 0 : i32
    %dma_start3A_4 = tpu.memref_slice %arg5[%dma_start3A, %dma_start3A_3] : memref<64x4xi32, #tpu.memory_space<vmem>> -> memref<1x4xi32, #tpu.memory_space<vmem>>
    %dma_start3A_5 = tpu.memref_squeeze %dma_start3A_4 : memref<1x4xi32, #tpu.memory_space<vmem>> -> memref<4xi32, #tpu.memory_space<vmem>>
    %dma_start3A_6 = arith.constant 0 : i32
    %dma_start3A_7 = arith.constant 0 : i32
    %dma_start3A_8 = tpu.memref_slice %arg2[%dma_start3A_6, %dma_start3A_7] : memref<8192x8192xf32, #tpu.memory_space<hbm>> -> memref<8192x8192xf32, #tpu.memory_space<hbm>>
    tpu.enqueue_indirect_dma source(%dma_start3A_8 : memref<8192x8192xf32, #tpu.memory_space<hbm>>) target(%arg6 : memref<4x8192xf32, #tpu.memory_space<vmem>>) offsets(%dma_start3A_5 : memref<4xi32, #tpu.memory_space<vmem>>) semaphore(%arg8 : memref<!tpu.dma_semaphore, #tpu.memory_space<semaphore_mem>>)
    %scan3A = arith.constant 0 : i32
    %scan3A_9 = arith.constant 32 : i32
    %scan3A_10 = arith.addi %scan3A, %scan3A_9 : i32
    %scan3A_11 = arith.constant 1 : i32
    scf.for %scan3A_24 = %scan3A to %scan3A_10 step %scan3A_11  : i32 {
      %mul3A_25 = arith.constant 2 : i32
      %mul3A_26 = arith.muli %scan3A_24, %mul3A_25 : i32
      %add3A_27 = arith.constant 0 : i32
      %add3A_28 = arith.addi %add3A_27, %mul3A_26 : i32
      %add3A_29 = arith.constant 0 : i32
      %add3A_30 = arith.addi %add3A_28, %add3A_29 : i32
      %add3A_31 = arith.constant 1 : i32
      %add3A_32 = arith.addi %add3A_30, %add3A_31 : i32
      %lt3A = arith.constant 64 : i32
      %lt3A_33 = arith.cmpi slt, %add3A_32, %lt3A : i32
      %convert_element_type3A = arith.extui %lt3A_33 : i1 to i32
      %cond3A = arith.constant 0 : i32
      %cond3A_34 = arith.cmpi ne, %convert_element_type3A, %cond3A : i32
      scf.if %cond3A_34 {
        %add3A_70 = arith.constant 1 : i32
        %add3A_71 = arith.addi %add3A_30, %add3A_70 : i32
        %sub3A = arith.constant 2 : i32
        %sub3A_72 = arith.subi %add3A_71, %sub3A : i32
        %ge3A = arith.constant 0 : i32
        %ge3A_73 = arith.cmpi sge, %sub3A_72, %ge3A : i32
        %convert_element_type3A_74 = arith.extui %ge3A_73 : i1 to i32
        %cond3A_75 = arith.constant 0 : i32
        %cond3A_76 = arith.cmpi ne, %convert_element_type3A_74, %cond3A_75 : i32
        scf.if %cond3A_76 {
          %add3A_85 = arith.constant 1 : i32
          %add3A_86 = arith.addi %add3A_30, %add3A_85 : i32
          %sub3A_87 = arith.constant 2 : i32
          %sub3A_88 = arith.subi %add3A_86, %sub3A_87 : i32
          %mul3A_89 = arith.constant 4 : i32
          %mul3A_90 = arith.muli %sub3A_88, %mul3A_89 : i32
          %add3A_91 = arith.addi %mul3A_2, %mul3A_90 : i32
          %dma_wait3A_92 = arith.constant 0 : i32
          %dma_wait3A_93 = tpu.memref_slice %arg4[%add3A_91, %dma_wait3A_92] : memref<8192x8192xf32, #tpu.memory_space<hbm>> -> memref<4x8192xf32, #tpu.memory_space<hbm>>
          %dma_wait3A_94 = arith.constant 0 : i32
          %dma_wait3A_95 = tpu.memref_slice %arg4[%add3A_91, %dma_wait3A_94] : memref<8192x8192xf32, #tpu.memory_space<hbm>> -> memref<4x8192xf32, #tpu.memory_space<hbm>>
          tpu.wait_dma2 semaphore(%arg11 : memref<!tpu.dma_semaphore, #tpu.memory_space<semaphore_mem>>) src(%arg7 : memref<4x8192xf32, #tpu.memory_space<vmem>>) dst(%dma_wait3A_95 : memref<4x8192xf32, #tpu.memory_space<hbm>>)
        } else {
        }
        %add3A_77 = arith.constant 1 : i32
        %add3A_78 = arith.addi %add3A_30, %add3A_77 : i32
        %dma_start3A_79 = arith.constant 0 : i32
        %dma_start3A_80 = tpu.memref_slice %arg5[%add3A_78, %dma_start3A_79] : memref<64x4xi32, #tpu.memory_space<vmem>> -> memref<1x4xi32, #tpu.memory_space<vmem>>
        %dma_start3A_81 = tpu.memref_squeeze %dma_start3A_80 : memref<1x4xi32, #tpu.memory_space<vmem>> -> memref<4xi32, #tpu.memory_space<vmem>>
        %dma_start3A_82 = arith.constant 0 : i32
        %dma_start3A_83 = arith.constant 0 : i32
        %dma_start3A_84 = tpu.memref_slice %arg2[%dma_start3A_82, %dma_start3A_83] : memref<8192x8192xf32, #tpu.memory_space<hbm>> -> memref<8192x8192xf32, #tpu.memory_space<hbm>>
        tpu.enqueue_indirect_dma source(%dma_start3A_84 : memref<8192x8192xf32, #tpu.memory_space<hbm>>) target(%arg7 : memref<4x8192xf32, #tpu.memory_space<vmem>>) offsets(%dma_start3A_81 : memref<4xi32, #tpu.memory_space<vmem>>) semaphore(%arg9 : memref<!tpu.dma_semaphore, #tpu.memory_space<semaphore_mem>>)
      } else {
      }
      %dma_wait3A_35 = arith.constant 0 : i32
      %dma_wait3A_36 = tpu.memref_slice %arg5[%add3A_30, %dma_wait3A_35] : memref<64x4xi32, #tpu.memory_space<vmem>> -> memref<1x4xi32, #tpu.memory_space<vmem>>
      %dma_wait3A_37 = tpu.memref_squeeze %dma_wait3A_36 : memref<1x4xi32, #tpu.memory_space<vmem>> -> memref<4xi32, #tpu.memory_space<vmem>>
      %dma_wait3A_38 = arith.constant 0 : i32
      %dma_wait3A_39 = arith.constant 0 : i32
      %dma_wait3A_40 = tpu.memref_slice %arg2[%dma_wait3A_38, %dma_wait3A_39] : memref<8192x8192xf32, #tpu.memory_space<hbm>> -> memref<8192x8192xf32, #tpu.memory_space<hbm>>
      tpu.wait_indirect_dma semaphore(%arg8 : memref<!tpu.dma_semaphore, #tpu.memory_space<semaphore_mem>>) src(%dma_wait3A_40 : memref<8192x8192xf32, #tpu.memory_space<hbm>>) dst(%arg6 : memref<4x8192xf32, #tpu.memory_space<vmem>>)
      %mul3A_41 = arith.constant 4 : i32
      %mul3A_42 = arith.muli %add3A_30, %mul3A_41 : i32
      %add3A_43 = arith.addi %mul3A_2, %mul3A_42 : i32
      %dma_start3A_44 = arith.constant 0 : i32
      %dma_start3A_45 = tpu.memref_slice %arg4[%add3A_43, %dma_start3A_44] : memref<8192x8192xf32, #tpu.memory_space<hbm>> -> memref<4x8192xf32, #tpu.memory_space<hbm>>
      %dma_start3A_46 = arith.constant 0 : i32
      %dma_start3A_47 = tpu.memref_slice %arg4[%add3A_43, %dma_start3A_46] : memref<8192x8192xf32, #tpu.memory_space<hbm>> -> memref<4x8192xf32, #tpu.memory_space<hbm>>
      tpu.enqueue_dma source(%arg6 : memref<4x8192xf32, #tpu.memory_space<vmem>>) target(%dma_start3A_47 : memref<4x8192xf32, #tpu.memory_space<hbm>>) target_semaphore(%arg10 : memref<!tpu.dma_semaphore, #tpu.memory_space<semaphore_mem>>)
      %add3A_48 = arith.constant 1 : i32
      %add3A_49 = arith.addi %add3A_28, %add3A_48 : i32
      %add3A_50 = arith.constant 1 : i32
      %add3A_51 = arith.addi %add3A_49, %add3A_50 : i32
      %lt3A_52 = arith.constant 64 : i32
      %lt3A_53 = arith.cmpi slt, %add3A_51, %lt3A_52 : i32
      %convert_element_type3A_54 = arith.extui %lt3A_53 : i1 to i32
      %cond3A_55 = arith.constant 0 : i32
      %cond3A_56 = arith.cmpi ne, %convert_element_type3A_54, %cond3A_55 : i32
      scf.if %cond3A_56 {
        %add3A_70 = arith.constant 1 : i32
        %add3A_71 = arith.addi %add3A_49, %add3A_70 : i32
        %sub3A = arith.constant 2 : i32
        %sub3A_72 = arith.subi %add3A_71, %sub3A : i32
        %ge3A = arith.constant 0 : i32
        %ge3A_73 = arith.cmpi sge, %sub3A_72, %ge3A : i32
        %convert_element_type3A_74 = arith.extui %ge3A_73 : i1 to i32
        %cond3A_75 = arith.constant 0 : i32
        %cond3A_76 = arith.cmpi ne, %convert_element_type3A_74, %cond3A_75 : i32
        scf.if %cond3A_76 {
          %add3A_85 = arith.constant 1 : i32
          %add3A_86 = arith.addi %add3A_49, %add3A_85 : i32
          %sub3A_87 = arith.constant 2 : i32
          %sub3A_88 = arith.subi %add3A_86, %sub3A_87 : i32
          %mul3A_89 = arith.constant 4 : i32
          %mul3A_90 = arith.muli %sub3A_88, %mul3A_89 : i32
          %add3A_91 = arith.addi %mul3A_2, %mul3A_90 : i32
          %dma_wait3A_92 = arith.constant 0 : i32
          %dma_wait3A_93 = tpu.memref_slice %arg4[%add3A_91, %dma_wait3A_92] : memref<8192x8192xf32, #tpu.memory_space<hbm>> -> memref<4x8192xf32, #tpu.memory_space<hbm>>
          %dma_wait3A_94 = arith.constant 0 : i32
          %dma_wait3A_95 = tpu.memref_slice %arg4[%add3A_91, %dma_wait3A_94] : memref<8192x8192xf32, #tpu.memory_space<hbm>> -> memref<4x8192xf32, #tpu.memory_space<hbm>>
          tpu.wait_dma2 semaphore(%arg10 : memref<!tpu.dma_semaphore, #tpu.memory_space<semaphore_mem>>) src(%arg6 : memref<4x8192xf32, #tpu.memory_space<vmem>>) dst(%dma_wait3A_95 : memref<4x8192xf32, #tpu.memory_space<hbm>>)
        } else {
        }
        %add3A_77 = arith.constant 1 : i32
        %add3A_78 = arith.addi %add3A_49, %add3A_77 : i32
        %dma_start3A_79 = arith.constant 0 : i32
        %dma_start3A_80 = tpu.memref_slice %arg5[%add3A_78, %dma_start3A_79] : memref<64x4xi32, #tpu.memory_space<vmem>> -> memref<1x4xi32, #tpu.memory_space<vmem>>
        %dma_start3A_81 = tpu.memref_squeeze %dma_start3A_80 : memref<1x4xi32, #tpu.memory_space<vmem>> -> memref<4xi32, #tpu.memory_space<vmem>>
        %dma_start3A_82 = arith.constant 0 : i32
        %dma_start3A_83 = arith.constant 0 : i32
        %dma_start3A_84 = tpu.memref_slice %arg2[%dma_start3A_82, %dma_start3A_83] : memref<8192x8192xf32, #tpu.memory_space<hbm>> -> memref<8192x8192xf32, #tpu.memory_space<hbm>>
        tpu.enqueue_indirect_dma source(%dma_start3A_84 : memref<8192x8192xf32, #tpu.memory_space<hbm>>) target(%arg6 : memref<4x8192xf32, #tpu.memory_space<vmem>>) offsets(%dma_start3A_81 : memref<4xi32, #tpu.memory_space<vmem>>) semaphore(%arg8 : memref<!tpu.dma_semaphore, #tpu.memory_space<semaphore_mem>>)
      } else {
      }
      %dma_wait3A_57 = arith.constant 0 : i32
      %dma_wait3A_58 = tpu.memref_slice %arg5[%add3A_49, %dma_wait3A_57] : memref<64x4xi32, #tpu.memory_space<vmem>> -> memref<1x4xi32, #tpu.memory_space<vmem>>
      %dma_wait3A_59 = tpu.memref_squeeze %dma_wait3A_58 : memref<1x4xi32, #tpu.memory_space<vmem>> -> memref<4xi32, #tpu.memory_space<vmem>>
      %dma_wait3A_60 = arith.constant 0 : i32
      %dma_wait3A_61 = arith.constant 0 : i32
      %dma_wait3A_62 = tpu.memref_slice %arg2[%dma_wait3A_60, %dma_wait3A_61] : memref<8192x8192xf32, #tpu.memory_space<hbm>> -> memref<8192x8192xf32, #tpu.memory_space<hbm>>
      tpu.wait_indirect_dma semaphore(%arg9 : memref<!tpu.dma_semaphore, #tpu.memory_space<semaphore_mem>>) src(%dma_wait3A_62 : memref<8192x8192xf32, #tpu.memory_space<hbm>>) dst(%arg7 : memref<4x8192xf32, #tpu.memory_space<vmem>>)
      %mul3A_63 = arith.constant 4 : i32
      %mul3A_64 = arith.muli %add3A_49, %mul3A_63 : i32
      %add3A_65 = arith.addi %mul3A_2, %mul3A_64 : i32
      %dma_start3A_66 = arith.constant 0 : i32
      %dma_start3A_67 = tpu.memref_slice %arg4[%add3A_65, %dma_start3A_66] : memref<8192x8192xf32, #tpu.memory_space<hbm>> -> memref<4x8192xf32, #tpu.memory_space<hbm>>
      %dma_start3A_68 = arith.constant 0 : i32
      %dma_start3A_69 = tpu.memref_slice %arg4[%add3A_65, %dma_start3A_68] : memref<8192x8192xf32, #tpu.memory_space<hbm>> -> memref<4x8192xf32, #tpu.memory_space<hbm>>
      tpu.enqueue_dma source(%arg7 : memref<4x8192xf32, #tpu.memory_space<vmem>>) target(%dma_start3A_69 : memref<4x8192xf32, #tpu.memory_space<hbm>>) target_semaphore(%arg11 : memref<!tpu.dma_semaphore, #tpu.memory_space<semaphore_mem>>)
    }
    %scan3A_12 = arith.constant 32 : i32
    %add3A_13 = arith.constant 248 : i32
    %add3A_14 = arith.addi %mul3A_2, %add3A_13 : i32
    %dma_wait3A = arith.constant 0 : i32
    %dma_wait3A_15 = tpu.memref_slice %arg4[%add3A_14, %dma_wait3A] : memref<8192x8192xf32, #tpu.memory_space<hbm>> -> memref<4x8192xf32, #tpu.memory_space<hbm>>
    %dma_wait3A_16 = arith.constant 0 : i32
    %dma_wait3A_17 = tpu.memref_slice %arg4[%add3A_14, %dma_wait3A_16] : memref<8192x8192xf32, #tpu.memory_space<hbm>> -> memref<4x8192xf32, #tpu.memory_space<hbm>>
    tpu.wait_dma2 semaphore(%arg10 : memref<!tpu.dma_semaphore, #tpu.memory_space<semaphore_mem>>) src(%arg6 : memref<4x8192xf32, #tpu.memory_space<vmem>>) dst(%dma_wait3A_17 : memref<4x8192xf32, #tpu.memory_space<hbm>>)
    %add3A_18 = arith.constant 252 : i32
    %add3A_19 = arith.addi %mul3A_2, %add3A_18 : i32
    %dma_wait3A_20 = arith.constant 0 : i32
    %dma_wait3A_21 = tpu.memref_slice %arg4[%add3A_19, %dma_wait3A_20] : memref<8192x8192xf32, #tpu.memory_space<hbm>> -> memref<4x8192xf32, #tpu.memory_space<hbm>>
    %dma_wait3A_22 = arith.constant 0 : i32
    %dma_wait3A_23 = tpu.memref_slice %arg4[%add3A_19, %dma_wait3A_22] : memref<8192x8192xf32, #tpu.memory_space<hbm>> -> memref<4x8192xf32, #tpu.memory_space<hbm>>
    tpu.wait_dma2 semaphore(%arg11 : memref<!tpu.dma_semaphore, #tpu.memory_space<semaphore_mem>>) src(%arg7 : memref<4x8192xf32, #tpu.memory_space<vmem>>) dst(%dma_wait3A_23 : memref<4x8192xf32, #tpu.memory_space<hbm>>)
    return
  }
}

</mosaic_0001>

<sc_bundles>
// kernel: kernel.3.cloned.1.call-start
scs
__scs_entry_jumppad:
0x0: {  	(pc) =	sbr.rel $0x88, $3  }
0x1: {  	(tag) =	ssettag $0x0;
	lr =	simm.s32 $0x1  }
0x2: {  	[smem:$0x3F9F] =	sst lr;
	_ =	strace $0xD0000000  }
0x3: {  	_ = 	snop  }
0x4: {  	_ = 	snop  }
0x5: {  	_ = 	snop  }
0x6: {  	_ = 	snop  }
0x7: {  	_ = 	snop  }
__scs_overlays_trampoline_lowered:
0x8: {  	[smem:$0x3FAE] =	sst s0  }
0x9: {  	[smem:$0x3FAF] =	sst s1  }
0xa: {  	[smem:$0x3FB0] =	sst s2  }
0xb: {  	[smem:$0x3FB1] =	sst s3  }
0xc: {  	[smem:$0x3FB2] =	sst s4  }
0xd: {  	[smem:$0x3FB3] =	sst s5  }
0xe: {  	[smem:$0x3FB4] =	sst s6  }
0xf: {  	[smem:$0x3FB5] =	sst s7  }
0x10: {  	[smem:$0x3FB6] =	sst s8  }
0x11: {  	[smem:$0x3FB7] =	sst s9;
	s0 =	simm.s32 @!p0 $0x0  }
0x12: {  	s1 =	sld [smem:$0x3F9D];
	s0 =	simm.s32 @p0 $0x1  }
0x13: {  	[smem:$0x3FB8] =	sst s0;
	s0 =	simm.s32 @!p1 $0x0  }
0x14: {  	s2 =	sld [smem:$0x3F9C];
	s0 =	simm.s32 @p1 $0x1  }
0x15: {  	[smem:$0x3FB9] =	sst s0;
	s0 =	simm.s32 @!p2 $0x0  }
0x16: {  	s3 =	sld [smem:$0x3FDB];
	s0 =	simm.s32 @p2 $0x1  }
0x17: {  	s4 =	simm.s32 $0x1BF5;
	[smem:$0x3FBB] =	sst s0  }
0x18: {  	s0 =	sld [smem:$0x3F9E];
	_ =	swait.ge [sflag:s4], $0x0  }
0x19: {  	s7 =	sld [smem:$0x3F9F]  }
0x1a: {  	s8 =	sadd.s32 $0xFFFFE003, lr  }
0x1b: {  	s9 =	sadd.s32 $0xFFFFFEF7, lr;
	s5 =	simm.s32 $0xFFFFFFFF;
	p2 =	slt.u32 s8, $0xFFFFF086  }
0x1c: {  	p1 =	slt.u32 s9, $0xF7A;
	s5 =	simm.s32 @!p2 $0x0  }
0x1d: {  	s5 =	simm.s32 @p1 $0x1;
	p0 =	seq.s32 s7, s2  }
0x1e: {  	s7 =	smul.u32 @!p0 $0xF7A, s2;
	p2 =	seq.s32 @!p0 s5, $0x0  }
0x1f: {  	s9 =	smul.u32 $0xF7A, s1;
	s8 =	simm.s32 @!p0 $0x1BF5;
	p2 =	por !p2, p0  }
0x20: {  	[sflag:s8] =	ssyncset.s32 @!p0 $0xFFFFF086;
	s6 =	sadd.s32 @!p0 s3, s7;
	s7 =	simm.s32 @!p0 $0x108  }
0x21: {  	s3 =	sadd.s32 s3, s9;
	s6 =	sadd.s32 @!p0 $0x88, s6;
	s7 =	simm.s32 @p2 $0x1082  }
0x22: {  	[simem:s7], [sflag:s8] =	dma.local @!p0 [hbm:s6], $0xF7A  }
0x23: {  	s9 =	sor.u32 $0xD0000000, s2;
	s6 =	simm.s32 $0x108;
	_ =	swait.ge @!p0 [sflag:s8], $0x0  }
0x24: {  	s3 =	sadd.s32 $0x88, s3;
	s6 =	simm.s32 @!p1 $0x1082;
	[sflag:s4] =	ssyncset.s32 $0xFFFFF086  }
0x25: {  	[simem:s6], [sflag:s4] =	dma.local [hbm:s3], $0xF7A  }
0x26: {  	[smem:$0x3F9F] =	sst s1;
	(tag) =	ssettag s2;
	_ =	strace s9  }
0x27: {  	s1 =	sld [smem:$0x3FAF]  }
0x28: {  	s2 =	sld [smem:$0x3FB0]  }
0x29: {  	s4 =	sld [smem:$0x3FB2]  }
0x2a: {  	p0 =	seq.s32 s5, $0x0;
	s5 =	sld [smem:$0x3FB3]  }
0x2b: {  	s6 =	sld [smem:$0x3FB4]  }
0x2c: {  	s7 =	sld [smem:$0x3FB5]  }
0x2d: {  	s3 =	simm.s32 $0x108;
	s8 =	sld [smem:$0x3FB6]  }
0x2e: {  	s3 =	simm.s32 @!p0 $0x1082;
	s9 =	sld [smem:$0x3FB7]  }
0x2f: {  	lr =	sadd.s32 s0, s3;
	s0 =	sld [smem:$0x3FAE]  }
0x30: {  	s3 =	sld [smem:$0x3FB1]  }
0x31: {  	[smem:$0x3FBA] =	sst s10  }
0x32: {  	s10 =	sld [smem:$0x3FB8];
	_ =	sdelay $0x3  }
0x33: {  	p0 =	seq.s32 s10, $0x1;
	s10 =	sld [smem:$0x3FBA];
	_ =	sdelay $0x3  }
0x34: {  	[smem:$0x3FBA] =	sst s10  }
0x35: {  	s10 =	sld [smem:$0x3FB9];
	_ =	sdelay $0x3  }
0x36: {  	p1 =	seq.s32 s10, $0x1;
	s10 =	sld [smem:$0x3FBA];
	_ =	sdelay $0x3  }
0x37: {  	[smem:$0x3FBA] =	sst s10  }
0x38: {  	s10 =	sld [smem:$0x3FBB]  }
0x39: {  	_ = 	snop;
	(pc) =	sbr.ind lr, $3  }
0x3a: {  	_ = 	snop  }
0x3b: {  	_ = 	snop  }
0x3c: {  	p2 =	seq.s32 s10, $0x1;
	s10 =	sld [smem:$0x3FBA]  }
0x3d: {  	_ =	shalt  }
0x3e: {  	_ =	shalt  }
0x3f: {  	_ =	shalt  }
0x40: {  	_ =	shalt  }
0x41: {  	_ =	shalt  }
0x42: {  	_ =	shalt  }
0x43: {  	_ =	shalt  }
0x44: {  	_ =	shalt  }
0x45: {  	_ =	shalt  }
0x46: {  	_ =	shalt  }
0x47: {  	_ =	shalt  }
0x48: {  	_ =	shalt  }
0x49: {  	_ =	shalt  }
0x4a: {  	_ =	shalt  }
0x4b: {  	_ =	shalt  }
0x4c: {  	_ =	shalt  }
0x4d: {  	_ =	shalt  }
0x4e: {  	_ =	shalt  }
0x4f: {  	_ =	shalt  }
0x50: {  	_ =	shalt  }
0x51: {  	_ =	shalt  }
0x52: {  	_ =	shalt  }
0x53: {  	_ =	shalt  }
0x54: {  	_ =	shalt  }
0x55: {  	_ =	shalt  }
0x56: {  	_ =	shalt  }
0x57: {  	_ =	shalt  }
0x58: {  	_ =	shalt  }
0x59: {  	_ =	shalt  }
0x5a: {  	_ =	shalt  }
0x5b: {  	_ =	shalt  }
0x5c: {  	_ =	shalt  }
0x5d: {  	_ =	shalt  }
0x5e: {  	_ =	shalt  }
0x5f: {  	_ =	shalt  }
0x60: {  	_ =	shalt  }
0x61: {  	_ =	shalt  }
0x62: {  	_ =	shalt  }
0x63: {  	_ =	shalt  }
0x64: {  	_ =	shalt  }
0x65: {  	_ =	shalt  }
0x66: {  	_ =	shalt  }
0x67: {  	_ =	shalt  }
0x68: {  	_ =	shalt  }
0x69: {  	_ =	shalt  }
0x6a: {  	_ =	shalt  }
0x6b: {  	_ =	shalt  }
0x6c: {  	_ =	shalt  }
0x6d: {  	_ =	shalt  }
0x6e: {  	_ =	shalt  }
0x6f: {  	_ =	shalt  }
0x70: {  	_ =	shalt  }
0x71: {  	_ =	shalt  }
0x72: {  	_ =	shalt  }
0x73: {  	_ =	shalt  }
0x74: {  	_ =	shalt  }
0x75: {  	_ =	shalt  }
0x76: {  	_ =	shalt  }
0x77: {  	_ =	shalt  }
0x78: {  	_ =	shalt  }
0x79: {  	_ =	shalt  }
0x7a: {  	_ =	shalt  }
0x7b: {  	_ =	shalt  }
0x7c: {  	_ =	shalt  }
0x7d: {  	_ =	shalt  }
0x7e: {  	_ =	shalt  }
0x7f: {  	_ =	shalt  }
0x80: {  	_ =	shalt  }
0x81: {  	_ =	shalt  }
0x82: {  	_ =	shalt  }
0x83: {  	_ =	shalt  }
0x84: {  	_ =	shalt  }
0x85: {  	_ =	shalt  }
0x86: {  	_ =	shalt  }
0x87: {  	_ =	shalt  }
.Lfunc_end0:
.L_simem_size_0:
called_computation_lowered:
.L_overlay_start_0:
0x88: {  	s2 =	sld [smem:$0x3FD9]  }
0x89: {  	s3 =	sld [smem:$0x3FFE];
	_ =	sdelay $0x1  }
0x8a: {  	s1 =	srdreg.scid  }
0x8b: {  	s0 =	sand.u32 $0x1, s1  }
0x8c: {  	s17 =	sshll.u32 s0, $0xA;
	s2 =	sadd.s32 s3, s2  }
0x8d: {  	s2 =	sadd.s32 s2, s17  }
0x8e: {  	[smem:$0x3FC6] =	sst s2  }
0x8f: {  	_ = 	snop  }
0x90: {  	s2 =	sld [smem:$0x3FC8]  }
0x91: {  	s18 =	sld [smem:$0x3FD0];
	(tm) =	ssettm $0x1  }
0x92: {  	s4 =	sld [smem:$0x3FFB];
	_ =	sdelay $0x3  }
0x93: {  	_ =	strace s4  }
0x94: {  	s4 =	sld [smem:$0x3FFC];
	_ =	sdelay $0x3  }
0x95: {  	_ =	strace s4  }
0x96: {  	s4 =	sld [smem:$0x3FFD];
	_ =	sdelay $0x3  }
0x97: {  	_ =	strace s4  }
0x98: {  	_ =	strace $0x8FFFFFFF  }
0x99: {  	s19 =	sld [smem:$0x3FDB];
	_ =	sdelay $0x1  }
0x9a: {  	s5 =	simm.s32 $_scs_section_size  }
0x9b: {  	s6 =	simm.s32 $_size__tile_overlayer_lowered;
	s7 =	simm.s32 $_tile_overlayer_lowered  }
0x9c: {  	s22 =	simm.s32 $0x1BFF;
	s21 =	sshll.u32 s7, $0x1;
	s4 =	sadd.s32 s5, s19  }
0x9d: {  	s8 =	simm.s32 $0x0;
	s20 =	sshll.u32 s6, $0x1;
	s6 =	sadd.s32 s21, s4  }
0x9e: {  	[timem:s8], [sflag:s22] =	dma.local [hbm:s6], s20  }
0x9f: {  	_ =	swait.ge [sflag:s22], s20  }
0xa0: {  	s5 =	ssub.s32 $0x0, s20;
	[sflag:s22] =	ssyncset.done $0x0  }
0xa1: {  	[sflag:s22] =	ssyncadd.s32 s5;
	_ =	sdelay $0x1  }
0xa2: {  	s23 =	simm.s32 $0x1B8B  }
0xa3: {  	_ =	swait.ge [sflag:s23], $0x1  }
0xa4: {  	[sflag:s23] =	ssyncset.done $0x0  }
0xa5: {  	s25 =	simm.s32 $0x1B8E;
	s24 =	sld [smem:$0x3FFE];
	[sflag:s23] =	ssyncadd.s32 $0xFFFFFFFF  }
0xa6: {  	s26 =	simm.s32 $execute0_lowered;
	[smem:$0x3FD2] =	sst s25  }
0xa7: {  	s6 =	sshll.u32 s26, $0x1;
	_ =	strace $0x80000046;
	[dreg:$0x1] =	wrdreg $0xFFFFFFFF  }
0xa8: {  	s28 =	simm.s32 $_size_execute0_lowered;
	s4 =	sadd.s32 s4, s6;
	[dreg:$0x0] =	wrdreg $0x0  }
0xa9: {  	s6 =	sshll.u32 s28, $0x1;
	[dreg:$0x2] =	wrdreg s4  }
0xaa: {  	[dreg:$0x3] =	wrdreg s6  }
0xab: {  	[dreg:$0x4] =	wrdreg $0xC0  }
0xac: {  	_ =	task [dreg:s8], $0x5FFFF  }
0xad: {  	[dreg:$0x1] =	wrdreg $0xFFFFFFFF  }
0xae: {  	[dreg:$0x0] =	wrdreg $0x60  }
0xaf: {  	[dreg:$0x2] =	wrdreg s2  }
0xb0: {  	[dreg:$0x3] =	wrdreg s24  }
0xb1: {  	[dreg:$0x4] =	wrdreg s18  }
0xb2: {  	[dreg:$0x5] =	wrdreg $0x9  }
0xb3: {  	_ =	task.clear_ibuf [dreg:s8], $0x6FFFF;
	_ =	strace $0x90000046  }
0xb4: {  	s29 =	simm.s32 $0x9;
	_ =	strace $0x80000048  }
0xb5: {  	_ =	swait.ge [sflag:s29], $0x1  }
0xb6: {  	[sflag:s29] =	ssyncadd.s32 $0xFFFFFFFF  }
0xb7: {  	_ =	strace $0x90000048  }
0xb8: {  	_ =	sfence  }
0xb9: {  	s30 =	sld [smem:$0x0];
	_ =	sdelay $0x2  }
0xba: {  	s31 =	sshll.u32 s1, $0xD;
	s1 =	sshrl.u32 s1, $0x2  }
0xbb: {  	s3 =	sand.u32 $0x4000, s31;
	s1 =	sadd.s32 s1, s30  }
0xbc: {  	s0 =	sor.u32 s3, s0;
	s1 =	sshll.u32 s1, $0x11  }
0xbd: {  	s0 =	sor.u32 s1, s0  }
0xbe: {  	s0 =	sadd.s32 $0x8F2B, s0  }
0xbf: {  	[sflag:s0] =	ssyncadd.remote.s32 $0x1  }
0xc0: {  	_ =	sfence.sel $0xFFFF  }
0xc1: {  	[dreg:$0x0] =	wrdreg $0xFFFFFFFF;
	(pc) =	sbr.abs _section_cstart, $3  }
0xc2: {  	[dreg:$0x1] =	wrdreg $0xFFFFFFFF  }
0xc3: {  	_ =	task.clear_ibuf [dreg:s8], $0x2FFFF;
	_ =	strace $0x9FFFFFFF  }
0xc4: {  	(tm) =	ssettm $0x7FFFFFFF  }
0xc5: {  	_ =	shalt  }
tec
execute0_lowered:
.L_overlay_start_1:
0x0: {  	(tag) =	ssettag $0x1  }
0x1: {  	s1 =	rddreg [dreg:$0x0]  }
0x2: {  	s0 =	rddreg [dreg:$0x1]  }
0x3: {  	s2 =	rddreg [dreg:$0x2];
	s3 =	srdreg.scid  }
0x4: {  	s7 =	stileid.u32;
	s11 =	simm.s32 $0xA800;
	s12 =	simm.s32 $0xB000  }
0x5: {  	s13 =	simm.s32 $0xB800;
	s14 =	simm.s32 $0xC000;
	s15 =	simm.s32 $0xC800  }
0x6: {  	s16 =	simm.s32 $0xD000;
	s17 =	simm.s32 $0xD800;
	s18 =	simm.s32 $0xE000  }
0x7: {  	s19 =	simm.s32 $0xE800;
	s6 =	sand.u32 $0x1, s3;
	s3 =	simm.s32 $0x0  }
0x8: {  	s21 =	simm.s32 $0xF000;
	s22 =	simm.s32 $0xF800;
	[smem:$0x7FF] =	sst s3  }
0x9: {  	s23 =	simm.s32 $0x10000;
	_ =	strace $0x80000047;
	[dreg:$0x5] =	wrdreg s11  }
0xa: {  	s25 =	simm.s32 $0x10800;
	s26 =	simm.s32 $0x11000;
	[dreg:$0x6] =	wrdreg s12  }
0xb: {  	s29 =	simm.s32 $0xA000;
	s30 =	simm.s32 $0x1;
	[dreg:$0x7] =	wrdreg s13  }
0xc: {  	s31 =	simm.s32 $0x200;
	s4 =	sshll.u32 s7, $0xB;
	[dreg:$0x8] =	wrdreg s14  }
0xd: {  	s9 =	sshll.u32 s7, $0x13;
	s7 =	sadd.s32 $0x600, s1;
	[dreg:$0x9] =	wrdreg s15  }
0xe: {  	s5 =	sshll.u32 s6, $0xA;
	s28 =	ssub.s32 $0x2, s6;
	[dreg:$0xa] =	wrdreg s16  }
0xf: {  	s10 =	sshll.u32 s6, $0x12;
	s6 =	sadd.s32 $0x400, s1;
	[dreg:$0xb] =	wrdreg s17  }
0x10: {  	s4 =	sor.u32 s5, s4;
	s8 =	sshrl.u32 s28, $0x1;
	[dreg:$0xc] =	wrdreg s18  }
0x11: {  	s5 =	sadd.s32 $0x200, s1;
	s11 =	sadd.s32 $0xE00, s1;
	[dreg:$0xd] =	wrdreg s19  }
0x12: {  	s12 =	sadd.s32 $0x1000, s1;
	s13 =	sadd.s32 $0x1200, s1;
	[dreg:$0xe] =	wrdreg s21  }
0x13: {  	s14 =	sadd.s32 $0x1400, s1;
	s15 =	sadd.s32 $0x1600, s1;
	[dreg:$0xf] =	wrdreg s22  }
0x14: {  	s16 =	sadd.s32 $0x1800, s1;
	s17 =	sadd.s32 $0x1A00, s1;
	[dreg:$0x10] =	wrdreg s23  }
0x15: {  	s18 =	sadd.s32 $0x1C00, s1;
	s19 =	sadd.s32 $0x1E00, s1;
	[dreg:$0x11] =	wrdreg s25  }
0x16: {  	s22 =	simm.s32 $0x2000;
	[dreg:$0x12] =	wrdreg s26;
	s23 =	simm.s32 $0x3  }
0x17: {  	s0 =	sadd.s32 s4, s0;
	s20 =	ssub.s32 s28, s8;
	s28 =	simm.s32 $0x11800  }
0x18: {  	s25 =	simm.s32 $0x0;
	s0 =	sadd.s32 $0x400, s0;
	[dreg:$0x13] =	wrdreg s28  }
0x19: {  	s8 =	sadd.s32 $0x800, s1;
	s24 =	smax.u32 s20, $0x1;
	[dreg:$0x14] =	wrdreg s0  }
0x1a: {  	v0 =	vlaneseq.u32;
	s0 =	sadd.s32 s9, s2;
	s9 =	sadd.s32 $0xA00, s1;
	[dreg:$0x15] =	wrdreg s24  }
0x1b: {  	v1 =	vshrl.u32 v0, $0x2;
	s2 =	simm.s32 $0x2;
	s24 =	simm.s32 $0x4;
	s0 =	sadd.s32 s10, s0  }
0x1c: {  	vm0 =	vmmov $0xffff;
	v0 =	vand.u32 $0x3, v0;
	v1 =	vmul.u32 $0x8, v1;
	s10 =	sadd.s32 $0xC00, s1;
	[dreg:$0x4] =	wrdreg s0;
	s0 =	simm.s32 $0x400  }
.LBB2_1:
0x1d: {  	s4 =	rddreg [dreg:$0x14];
	s26 =	simm.s32 $0x5  }
0x1e: {  	[tilespmem:s3], [sflag:$0x5] =	stream.linear.gather [hbm4b:s4+s3], $0x2000, $0x38;
	[tilespmem:$0x12000] =	vst v63  }
0x1f: {  	_ =	swait.ge [sflag:s26], $0x2000  }
0x20: {  	[sflag:s26] =	ssyncset.done $0x0  }
0x21: {  	[sflag:s26] =	ssyncadd.s32 $0xFFFFE000  }
0x22: {  	v2 =	vld.msk [tilespmem:$0x0], $0xf;
	_ =	sdelay $0x4  }
0x23: {  	v3 =	vshll.u32 v2, $0x6  }
0x24: {  	v2 =	vand.u32 $0x7, v2;
	v3 =	vand.u32 $0xFFFFFE00, v3  }
0x25: {  	v2 =	vor.u32 v2, v3  }
0x26: {  	v2 =	vperm.xlane v2, v0;
	_ =	sdelay $0x1  }
0x27: {  	v2 =	vadd.s32 v1, v2;
	_ =	sdelay $0x4  }
0x28: {  	[tilespmem:s22], [sflag:$0x1] =	stream.indirect_vreg.gather [hbm4b:s1+s3], $0x80, v2, vm0, $0xb8;
	[tilespmem:$0x12000] =	vst v63  }
0x29: {  	s20 =	simm.s32 $0x2800  }
0x2a: {  	[tilespmem:s20], [sflag:$0x1] =	stream.indirect_vreg.gather [hbm4b:s5+s3], $0x80, v2, vm0, $0xb8;
	[tilespmem:$0x12000] =	vst v63  }
0x2b: {  	s21 =	simm.s32 $0x3000  }
0x2c: {  	[tilespmem:s21], [sflag:$0x1] =	stream.indirect_vreg.gather [hbm4b:s6+s3], $0x80, v2, vm0, $0xb8;
	[tilespmem:$0x12000] =	vst v63  }
0x2d: {  	s26 =	simm.s32 $0x3800  }
0x2e: {  	[tilespmem:s26], [sflag:$0x1] =	stream.indirect_vreg.gather [hbm4b:s7+s3], $0x80, v2, vm0, $0xb8;
	[tilespmem:$0x12000] =	vst v63  }
0x2f: {  	s20 =	simm.s32 $0x4000  }
0x30: {  	[tilespmem:s20], [sflag:$0x1] =	stream.indirect_vreg.gather [hbm4b:s8+s3], $0x80, v2, vm0, $0xb8;
	[tilespmem:$0x12000] =	vst v63  }
0x31: {  	s21 =	simm.s32 $0x4800  }
0x32: {  	[tilespmem:s21], [sflag:$0x1] =	stream.indirect_vreg.gather [hbm4b:s9+s3], $0x80, v2, vm0, $0xb8;
	[tilespmem:$0x12000] =	vst v63  }
0x33: {  	s26 =	simm.s32 $0x5000  }
0x34: {  	[tilespmem:s26], [sflag:$0x1] =	stream.indirect_vreg.gather [hbm4b:s10+s3], $0x80, v2, vm0, $0xb8;
	[tilespmem:$0x12000] =	vst v63  }
0x35: {  	s20 =	simm.s32 $0x5800  }
0x36: {  	[tilespmem:s20], [sflag:$0x1] =	stream.indirect_vreg.gather [hbm4b:s11+s3], $0x80, v2, vm0, $0xb8;
	[tilespmem:$0x12000] =	vst v63  }
0x37: {  	s21 =	simm.s32 $0x6000  }
0x38: {  	[tilespmem:s21], [sflag:$0x1] =	stream.indirect_vreg.gather [hbm4b:s12+s3], $0x80, v2, vm0, $0xb8;
	[tilespmem:$0x12000] =	vst v63  }
0x39: {  	s26 =	simm.s32 $0x6800  }
0x3a: {  	[tilespmem:s26], [sflag:$0x1] =	stream.indirect_vreg.gather [hbm4b:s13+s3], $0x80, v2, vm0, $0xb8;
	[tilespmem:$0x12000] =	vst v63  }
0x3b: {  	s20 =	simm.s32 $0x7000  }
0x3c: {  	[tilespmem:s20], [sflag:$0x1] =	stream.indirect_vreg.gather [hbm4b:s14+s3], $0x80, v2, vm0, $0xb8;
	[tilespmem:$0x12000] =	vst v63  }
0x3d: {  	s21 =	simm.s32 $0x7800  }
0x3e: {  	[tilespmem:s21], [sflag:$0x1] =	stream.indirect_vreg.gather [hbm4b:s15+s3], $0x80, v2, vm0, $0xb8;
	[tilespmem:$0x12000] =	vst v63  }
0x3f: {  	s26 =	simm.s32 $0x8000  }
0x40: {  	[tilespmem:s26], [sflag:$0x1] =	stream.indirect_vreg.gather [hbm4b:s16+s3], $0x80, v2, vm0, $0xb8;
	[tilespmem:$0x12000] =	vst v63  }
0x41: {  	s20 =	simm.s32 $0x8800  }
0x42: {  	[tilespmem:s20], [sflag:$0x1] =	stream.indirect_vreg.gather [hbm4b:s17+s3], $0x80, v2, vm0, $0xb8;
	[tilespmem:$0x12000] =	vst v63  }
0x43: {  	s21 =	simm.s32 $0x9000  }
0x44: {  	[tilespmem:s21], [sflag:$0x1] =	stream.indirect_vreg.gather [hbm4b:s18+s3], $0x80, v2, vm0, $0xb8;
	[tilespmem:$0x12000] =	vst v63  }
0x45: {  	s26 =	simm.s32 $0x9800  }
0x46: {  	[tilespmem:s26], [sflag:$0x1] =	stream.indirect_vreg.gather [hbm4b:s19+s3], $0x80, v2, vm0, $0xb8;
	[tilespmem:$0x12000] =	vst v63  }
0x47: {  	s28 =	simm.s32 $0x0;
	s26 =	simm.s32 $0x100  }
.LBB2_2:
0x48: {  	p0 =	seq.s32 s28, $0x0  }
0x49: {  	s4 =	simm.s32 @!p0 $0x4  }
0x4a: {  	_ =	swait.ge @!p0 [sflag:s4], $0x8000  }
0x4b: {  	[sflag:s4] =	ssyncset.done @!p0 $0x0  }
0x4c: {  	[sflag:s4] =	ssyncadd.s32 @!p0 $0xFFFF8000  }
0x4d: {  	v2 =	vld.msk [tilespmem:s26+$0xFFFFFF80], $0xf;
	_ =	sdelay $0x4  }
0x4e: {  	v3 =	vshll.u32 v2, $0x6  }
0x4f: {  	v2 =	vand.u32 $0x7, v2;
	v3 =	vand.u32 $0xFFFFFE00, v3  }
0x50: {  	v2 =	vor.u32 v2, v3  }
0x51: {  	v2 =	vperm.xlane v2, v0;
	_ =	sdelay $0x1  }
0x52: {  	v2 =	vadd.s32 v1, v2;
	_ =	sdelay $0x4  }
0x53: {  	[tilespmem:s29], [sflag:$0x2] =	stream.indirect_vreg.gather [hbm4b:s1+s3], $0x80, v2, vm0, $0xb8;
	[tilespmem:$0x12000] =	vst v63  }
0x54: {  	s21 =	rddreg [dreg:$0x5]  }
0x55: {  	[tilespmem:s21], [sflag:$0x2] =	stream.indirect_vreg.gather [hbm4b:s5+s3], $0x80, v2, vm0, $0xb8;
	[tilespmem:$0x12000] =	vst v63  }
0x56: {  	s20 =	rddreg [dreg:$0x6]  }
0x57: {  	[tilespmem:s20], [sflag:$0x2] =	stream.indirect_vreg.gather [hbm4b:s6+s3], $0x80, v2, vm0, $0xb8;
	[tilespmem:$0x12000] =	vst v63  }
0x58: {  	s21 =	rddreg [dreg:$0x7]  }
0x59: {  	[tilespmem:s21], [sflag:$0x2] =	stream.indirect_vreg.gather [hbm4b:s7+s3], $0x80, v2, vm0, $0xb8;
	[tilespmem:$0x12000] =	vst v63  }
0x5a: {  	s20 =	rddreg [dreg:$0x8]  }
0x5b: {  	[tilespmem:s20], [sflag:$0x2] =	stream.indirect_vreg.gather [hbm4b:s8+s3], $0x80, v2, vm0, $0xb8;
	[tilespmem:$0x12000] =	vst v63  }
0x5c: {  	s21 =	rddreg [dreg:$0x9]  }
0x5d: {  	[tilespmem:s21], [sflag:$0x2] =	stream.indirect_vreg.gather [hbm4b:s9+s3], $0x80, v2, vm0, $0xb8;
	[tilespmem:$0x12000] =	vst v63  }
0x5e: {  	s20 =	rddreg [dreg:$0xa]  }
0x5f: {  	[tilespmem:s20], [sflag:$0x2] =	stream.indirect_vreg.gather [hbm4b:s10+s3], $0x80, v2, vm0, $0xb8;
	[tilespmem:$0x12000] =	vst v63  }
0x60: {  	s21 =	rddreg [dreg:$0xb]  }
0x61: {  	[tilespmem:s21], [sflag:$0x2] =	stream.indirect_vreg.gather [hbm4b:s11+s3], $0x80, v2, vm0, $0xb8;
	[tilespmem:$0x12000] =	vst v63  }
0x62: {  	s20 =	rddreg [dreg:$0xc]  }
0x63: {  	[tilespmem:s20], [sflag:$0x2] =	stream.indirect_vreg.gather [hbm4b:s12+s3], $0x80, v2, vm0, $0xb8;
	[tilespmem:$0x12000] =	vst v63  }
0x64: {  	s21 =	rddreg [dreg:$0xd]  }
0x65: {  	[tilespmem:s21], [sflag:$0x2] =	stream.indirect_vreg.gather [hbm4b:s13+s3], $0x80, v2, vm0, $0xb8;
	[tilespmem:$0x12000] =	vst v63  }
0x66: {  	s20 =	rddreg [dreg:$0xe]  }
0x67: {  	[tilespmem:s20], [sflag:$0x2] =	stream.indirect_vreg.gather [hbm4b:s14+s3], $0x80, v2, vm0, $0xb8;
	[tilespmem:$0x12000] =	vst v63  }
0x68: {  	s21 =	rddreg [dreg:$0xf]  }
0x69: {  	[tilespmem:s21], [sflag:$0x2] =	stream.indirect_vreg.gather [hbm4b:s15+s3], $0x80, v2, vm0, $0xb8;
	[tilespmem:$0x12000] =	vst v63  }
0x6a: {  	s20 =	rddreg [dreg:$0x10]  }
0x6b: {  	[tilespmem:s20], [sflag:$0x2] =	stream.indirect_vreg.gather [hbm4b:s16+s3], $0x80, v2, vm0, $0xb8;
	[tilespmem:$0x12000] =	vst v63  }
0x6c: {  	s21 =	rddreg [dreg:$0x11]  }
0x6d: {  	[tilespmem:s21], [sflag:$0x2] =	stream.indirect_vreg.gather [hbm4b:s17+s3], $0x80, v2, vm0, $0xb8;
	[tilespmem:$0x12000] =	vst v63  }
0x6e: {  	s20 =	rddreg [dreg:$0x12]  }
0x6f: {  	[tilespmem:s20], [sflag:$0x2] =	stream.indirect_vreg.gather [hbm4b:s18+s3], $0x80, v2, vm0, $0xb8;
	[tilespmem:$0x12000] =	vst v63  }
0x70: {  	s21 =	rddreg [dreg:$0x13]  }
0x71: {  	[tilespmem:s21], [sflag:$0x2] =	stream.indirect_vreg.gather [hbm4b:s19+s3], $0x80, v2, vm0, $0xb8;
	[tilespmem:$0x12000] =	vst v63  }
0x72: {  	_ =	swait.ge [sflag:s30], $0x8000  }
0x73: {  	p0 =	seq.s32 s28, $0x3E000;
	s21 =	rddreg [dreg:$0x4];
	[sflag:s30] =	ssyncset.done $0x0  }
0x74: {  	s20 =	simm.s32 @!p0 $0x3;
	[sflag:s30] =	ssyncadd.s32 $0xFFFF8000;
	s4 =	sadd.s32 s28, s21  }
0x75: {  	[hbm4b:s4+s31] =	stream.strided.scatter [tilespmem:s22], [sflag:$0x3], $0x8000, s0, s31, $0x38;
	[tilespmem:$0x12000] =	vst v63  }
0x76: {  	_ =	swait.ge @!p0 [sflag:s20], $0x8000  }
0x77: {  	[sflag:s20] =	ssyncset.done @!p0 $0x0  }
0x78: {  	[sflag:s20] =	ssyncadd.s32 @!p0 $0xFFFF8000  }
0x79: {  	v2 =	vld.msk @!p0 [tilespmem:s26+$0x0], $0xf;
	_ =	sdelay $0x4  }
0x7a: {  	v3 =	vshll.u32 @!p0 v2, $0x6  }
0x7b: {  	v4 =	vlaneseq.u32 @!p0;
	v2 =	vand.u32 @!p0 $0x7, v2;
	v3 =	vand.u32 @!p0 $0xFFFFFE00, v3  }
0x7c: {  	v2 =	vor.u32 @!p0 v2, v3;
	v3 =	vand.u32 @!p0 $0x3, v4;
	v4 =	vshrl.u32 @!p0 v4, $0x2  }
0x7d: {  	v2 =	vperm.xlane @!p0 v2, v3;
	v3 =	vmul.u32 @!p0 $0x8, v4;
	_ =	sdelay $0x1  }
0x7e: {  	v2 =	vadd.s32 @!p0 v3, v2;
	_ =	sdelay $0x3  }
0x7f: {  	vm1 =	vmmov @!p0 $0xffff;
	s21 =	simm.s32 @!p0 $0x2000;
	s20 =	simm.s32 @!p0 $0x0  }
0x80: {  	[tilespmem:s21], [sflag:$0x1] =	stream.indirect_vreg.gather @!p0 [hbm4b:s1+s20], $0x80, v2, vm1, $0xb8;
	[tilespmem:$0x12000] =	vst v63  }
0x81: {  	s21 =	simm.s32 @!p0 $0x2800  }
0x82: {  	[tilespmem:s21], [sflag:$0x1] =	stream.indirect_vreg.gather @!p0 [hbm4b:s5+s20], $0x80, v2, vm1, $0xb8;
	[tilespmem:$0x12000] =	vst v63  }
0x83: {  	s21 =	simm.s32 @!p0 $0x3000  }
0x84: {  	[tilespmem:s21], [sflag:$0x1] =	stream.indirect_vreg.gather @!p0 [hbm4b:s6+s20], $0x80, v2, vm1, $0xb8;
	[tilespmem:$0x12000] =	vst v63  }
0x85: {  	s21 =	simm.s32 @!p0 $0x3800  }
0x86: {  	[tilespmem:s21], [sflag:$0x1] =	stream.indirect_vreg.gather @!p0 [hbm4b:s7+s20], $0x80, v2, vm1, $0xb8;
	[tilespmem:$0x12000] =	vst v63  }
0x87: {  	s21 =	simm.s32 @!p0 $0x4000  }
0x88: {  	[tilespmem:s21], [sflag:$0x1] =	stream.indirect_vreg.gather @!p0 [hbm4b:s8+s20], $0x80, v2, vm1, $0xb8;
	[tilespmem:$0x12000] =	vst v63  }
0x89: {  	s21 =	simm.s32 @!p0 $0x4800  }
0x8a: {  	[tilespmem:s21], [sflag:$0x1] =	stream.indirect_vreg.gather @!p0 [hbm4b:s9+s20], $0x80, v2, vm1, $0xb8;
	[tilespmem:$0x12000] =	vst v63  }
0x8b: {  	s21 =	simm.s32 @!p0 $0x5000  }
0x8c: {  	[tilespmem:s21], [sflag:$0x1] =	stream.indirect_vreg.gather @!p0 [hbm4b:s10+s20], $0x80, v2, vm1, $0xb8;
	[tilespmem:$0x12000] =	vst v63  }
0x8d: {  	s21 =	simm.s32 @!p0 $0x5800  }
0x8e: {  	[tilespmem:s21], [sflag:$0x1] =	stream.indirect_vreg.gather @!p0 [hbm4b:s11+s20], $0x80, v2, vm1, $0xb8;
	[tilespmem:$0x12000] =	vst v63  }
0x8f: {  	s21 =	simm.s32 @!p0 $0x6000  }
0x90: {  	[tilespmem:s21], [sflag:$0x1] =	stream.indirect_vreg.gather @!p0 [hbm4b:s12+s20], $0x80, v2, vm1, $0xb8;
	[tilespmem:$0x12000] =	vst v63  }
0x91: {  	s21 =	simm.s32 @!p0 $0x6800  }
0x92: {  	[tilespmem:s21], [sflag:$0x1] =	stream.indirect_vreg.gather @!p0 [hbm4b:s13+s20], $0x80, v2, vm1, $0xb8;
	[tilespmem:$0x12000] =	vst v63  }
0x93: {  	s21 =	simm.s32 @!p0 $0x7000  }
0x94: {  	[tilespmem:s21], [sflag:$0x1] =	stream.indirect_vreg.gather @!p0 [hbm4b:s14+s20], $0x80, v2, vm1, $0xb8;
	[tilespmem:$0x12000] =	vst v63  }
0x95: {  	s21 =	simm.s32 @!p0 $0x7800  }
0x96: {  	[tilespmem:s21], [sflag:$0x1] =	stream.indirect_vreg.gather @!p0 [hbm4b:s15+s20], $0x80, v2, vm1, $0xb8;
	[tilespmem:$0x12000] =	vst v63  }
0x97: {  	s21 =	simm.s32 @!p0 $0x8000  }
0x98: {  	[tilespmem:s21], [sflag:$0x1] =	stream.indirect_vreg.gather @!p0 [hbm4b:s16+s20], $0x80, v2, vm1, $0xb8;
	[tilespmem:$0x12000] =	vst v63  }
0x99: {  	s21 =	simm.s32 @!p0 $0x8800  }
0x9a: {  	[tilespmem:s21], [sflag:$0x1] =	stream.indirect_vreg.gather @!p0 [hbm4b:s17+s20], $0x80, v2, vm1, $0xb8;
	[tilespmem:$0x12000] =	vst v63  }
0x9b: {  	s21 =	simm.s32 @!p0 $0x9000  }
0x9c: {  	[tilespmem:s21], [sflag:$0x1] =	stream.indirect_vreg.gather @!p0 [hbm4b:s18+s20], $0x80, v2, vm1, $0xb8;
	[tilespmem:$0x12000] =	vst v63  }
0x9d: {  	s28 =	sadd.s32 $0x2000, s28;
	s21 =	simm.s32 @!p0 $0x9800  }
0x9e: {  	[tilespmem:s21], [sflag:$0x1] =	stream.indirect_vreg.gather @!p0 [hbm4b:s19+s20], $0x80, v2, vm1, $0xb8;
	[tilespmem:$0x12000] =	vst v63  }
0x9f: {  	p0 =	sne.s32 s28, $0x40000  }
.Ltmp0:
0xa0: {  	_ = 	snop;
	(pc) =	sbr.rel @p0 .LBB2_2-.Ltmp0, $4  }
0xa1: {  	_ =	swait.ge [sflag:s2], $0x8000  }
0xa2: {  	[sflag:s2] =	ssyncset.done $0x0  }
0xa3: {  	s4 =	sadd.s32 $0x40, s4;
	s26 =	sadd.s32 $0x100, s26;
	[sflag:s2] =	ssyncadd.s32 $0xFFFF8000  }
0xa4: {  	[hbm4b:s4+s31] =	stream.strided.scatter [tilespmem:s29], [sflag:$0x4], $0x8000, s0, s31, $0x38;
	[tilespmem:$0x12000] =	vst v63  }
0xa5: {  	_ =	swait.ge [sflag:s23], $0x8000  }
0xa6: {  	[sflag:s23] =	ssyncset.done $0x0  }
0xa7: {  	[sflag:s23] =	ssyncadd.s32 $0xFFFF8000  }
0xa8: {  	_ =	swait.ge [sflag:s24], $0x8000  }
0xa9: {  	s25 =	sadd.s32 $0x1, s25;
	s4 =	rddreg [dreg:$0x15]  }
0xaa: {  	p0 =	sne.s32 s25, s4  }
.Ltmp1:
0xab: {  	_ = 	snop;
	(pc) =	sbr.rel @p0 .LBB2_1-.Ltmp1, $3  }
0xac: {  	_ =	sdelay $0x1  }
0xad: {  	[sflag:s24] =	ssyncset.done $0x0  }
0xae: {  	[sflag:s24] =	ssyncadd.s32 $0xFFFF8000  }
0xaf: {  	_ =	sfence.sel $0x180000  }
0xb0: {  	[bflag:$0x0] =	sbarrier.arrive $0xFFFF  }
0xb1: {  	_ =	strace $0x90000047  }
0xb2: {  	s0 =	stileid.u32;
	[bflag:$0x2] =	sbarrier.arrive $0xFFFF  }
0xb3: {  	p0 =	sne.s32 s0, $0x0;
	s0 =	rddreg [dreg:$0x3]  }
0xb4: {  	s0 =	sadd.s32 @!p0 $0x100000, s0  }
0xb5: {  	[sflag:s0] =	ssyncadd.tile.s32 @!p0 $0x1;
	_ =	shalt  }
.Lfunc_end2:
_tile_overlayer_lowered:
.L_overlay_start_2:
0xb6: {  	(tag) =	ssettag $0x2  }
0xb7: {  	s0 =	rddreg [dreg:$0x0];
	s2 =	stileid.u32  }
0xb8: {  	s1 =	rddreg [dreg:$0x1];
	p0 =	sne.s32 s2, $0x0  }
0xb9: {  	s3 =	rddreg [dreg:$0x2];
	[bflag:$0x3] =	sbarrier.arrive $0xFFFF;
	s2 =	simm.s32 @!p0 $0x1C05  }
0xba: {  	[timem:s3], [sflag:s2] =	dma.local @!p0 [hbm:s0], s1  }
0xbb: {  	s0 =	simm.s32 @!p0 $0x5  }
0xbc: {  	_ =	swait.ge @!p0 [sflag:s0], s1  }
0xbd: {  	s1 =	ssub.s32 @!p0 $0x0, s1;
	[sflag:s0] =	ssyncset.done @!p0 $0x0  }
0xbe: {  	[sflag:s0] =	ssyncadd.s32 @!p0 s1  }
0xbf: {  	[bflag:$0x3] =	sbarrier.arrive $0xFFFF  }
0xc0: {  	_ =	shalt  }

</sc_bundles>
